<compile_context>
chip_gen: v7x
topology: tpu7x:2x2x1
jax: 0.10.2.dev20260603
libtpu: 0.0.44.dev20260713+nightly
codegen_flags: <defaults>
</compile_context>

<pallas_src>
import functools

import jax
import jax.numpy as jnp
from jax import lax
from jax.experimental import pallas as pl
from jax.experimental.pallas import tpu as pltpu
from jax.experimental.pallas import tpu_sc as plsc

BATCH = 16384
FIELDS = 26
EMBED_DIM = 128

_TOTAL = BATCH * FIELDS
_BLK = 128
_NBLK = _TOTAL // _BLK
_NW = 32
_BPW = _NBLK // _NW
_NBUF = 4
_NGRP = _BPW // _NBUF


def _gather_kernel(table_hbm, idx_hbm, out_hbm, idx_v, *bufs_and_sems):
    rows = bufs_and_sems[:_NBUF]
    gsem = bufs_and_sems[_NBUF:2 * _NBUF]
    wsem = bufs_and_sems[2 * _NBUF:3 * _NBUF]

    nc = 2
    wid = lax.axis_index("s") * nc + lax.axis_index("c")
    base = wid * _BPW
    pltpu.sync_copy(idx_hbm.at[pl.ds(base, _BPW)], idx_v)

    def start_gather(j, b):
        pltpu.make_async_copy(table_hbm.at[idx_v.at[j]], rows[b], gsem[b]).start()

    def start_writeback(j, b):
        pltpu.make_async_copy(
            rows[b], out_hbm.at[pl.ds((base + j) * _BLK, _BLK)], wsem[b]
        ).start()

    def wait_gather(b):
        pltpu.make_async_copy(table_hbm.at[idx_v.at[0]], rows[b], gsem[b]).wait()

    def wait_writeback(j, b):
        pltpu.make_async_copy(
            rows[b], out_hbm.at[pl.ds((base + j) * _BLK, _BLK)], wsem[b]
        ).wait()

    for b in range(_NBUF):
        start_gather(b, b)

    def grp(g, carry):
        j0 = g * _NBUF
        for b in range(_NBUF):
            wait_gather(b)
            start_writeback(j0 + b, b)
        for b in range(_NBUF):
            wait_writeback(j0 + b, b)
            start_gather(j0 + _NBUF + b, b)
        return carry

    lax.fori_loop(0, _NGRP - 1, grp, 0)

    j0 = (_NGRP - 1) * _NBUF
    for b in range(_NBUF):
        wait_gather(b)
        start_writeback(j0 + b, b)
    for b in range(_NBUF):
        wait_writeback(j0 + b, b)


@jax.jit
def _run(idx2d, table):
    mesh = plsc.VectorSubcoreMesh(core_axis_name="c", subcore_axis_name="s")
    scratch = (
        [pltpu.VMEM((_BPW, _BLK), jnp.int32)]
        + [pltpu.VMEM((_BLK, EMBED_DIM), jnp.float32) for _ in range(_NBUF)]
        + [pltpu.SemaphoreType.DMA for _ in range(2 * _NBUF)]
    )
    kfn = functools.partial(
        pl.kernel,
        mesh=mesh,
        out_type=jax.ShapeDtypeStruct((_TOTAL, EMBED_DIM), jnp.float32),
        scratch_types=scratch,
    )(_gather_kernel)
    return kfn(table, idx2d)


def kernel(inputs, table):
    idx2d = inputs.T.reshape(_NBLK, _BLK).astype(jnp.int32)
    out = _run(idx2d, table)
    return out.reshape(FIELDS, BATCH, EMBED_DIM).transpose(1, 0, 2)

# --- scband reference (transcript-rebuilt; emitter-appended) ---
"""Pipeline reference for scband-mmdvae-44246753083469 (READ-ONLY COPY).

The authoritative reference and input builder live on the scoring server;
editing this copy changes nothing except your own understanding.
"""

import jax, jax.numpy as jnp
import numpy as np

NUM_INPUTS = 1000000
EMBED_DIM = 128
BATCH = 16384
FIELDS = 26

def setup_inputs(seed: int = 0) -> dict:
    key = jax.random.key(seed)
    k_idx, k_tab = jax.random.split(key)
    inputs = jax.random.randint(k_idx, (BATCH, FIELDS), 0, NUM_INPUTS, dtype=jnp.int64 if jax.config.jax_enable_x64 else jnp.int32)
    table = jax.random.normal(k_tab, (NUM_INPUTS, EMBED_DIM), dtype=jnp.float32)
    return {"inputs": inputs, "table": table}

def reference(inputs, table):
    # Faithful translation of MMDVAE.forward: embedding lookup of inputs into table.
    return jnp.take(table, inputs, axis=0)

if __name__ == "__main__":
    import jax
    _d = setup_inputs()
    print(jax.jit(kernel)(*tuple(_d.values())))

</pallas_src>

<mosaic_0001>
#map = affine_map<(d0, d1) -> (0, 0)>
module attributes {stable_mosaic.version = 14 : i64} {
  func.func @_gather_kernel(%arg0: i32, %arg1: i32, %arg2: memref<1000000x128xf32, #tpu.memory_space<hbm>>, %arg3: memref<3328x128xi32, #tpu.memory_space<hbm>>, %arg4: memref<425984x128xf32, #tpu.memory_space<hbm>>, %arg5: memref<104x128xi32, #tpu.memory_space<vmem>>, %arg6: memref<128x128xf32, #tpu.memory_space<vmem>>, %arg7: memref<128x128xf32, #tpu.memory_space<vmem>>, %arg8: memref<128x128xf32, #tpu.memory_space<vmem>>, %arg9: memref<128x128xf32, #tpu.memory_space<vmem>>, %arg10: memref<!tpu.dma_semaphore, #tpu.memory_space<semaphore_mem>>, %arg11: memref<!tpu.dma_semaphore, #tpu.memory_space<semaphore_mem>>, %arg12: memref<!tpu.dma_semaphore, #tpu.memory_space<semaphore_mem>>, %arg13: memref<!tpu.dma_semaphore, #tpu.memory_space<semaphore_mem>>, %arg14: memref<!tpu.dma_semaphore, #tpu.memory_space<semaphore_mem>>, %arg15: memref<!tpu.dma_semaphore, #tpu.memory_space<semaphore_mem>>, %arg16: memref<!tpu.dma_semaphore, #tpu.memory_space<semaphore_mem>>, %arg17: memref<!tpu.dma_semaphore, #tpu.memory_space<semaphore_mem>>) attributes {dimension_semantics = [#tpu.dimension_semantics<core_parallel>, #tpu.dimension_semantics<subcore_parallel>], iteration_bounds = array<i64: 2, 16>, scalar_prefetch = 0 : i64, scratch_operands = 13 : i64, tpu.core_type = #tpu.core_type<sc_vector_subcore>, window_params = [{transform_indices = #map}, {transform_indices = #map}, {transform_indices = #map}]} {
    %mul3A = arith.constant 2 : i32
    %mul3A_0 = arith.muli %arg1, %mul3A : i32
    %add3A = arith.addi %mul3A_0, %arg0 : i32
    %mul3A_1 = arith.constant 104 : i32
    %mul3A_2 = arith.muli %add3A, %mul3A_1 : i32
    "tpu.region"() ({
      %run_scoped3A = tpu.sem_alloc : memref<!tpu.dma_semaphore, #tpu.memory_space<semaphore_mem>>
      %dma_start3A_126 = arith.constant 0 : i32
      %dma_start3A_127 = tpu.memref_slice %arg3[%mul3A_2, %dma_start3A_126] : memref<3328x128xi32, #tpu.memory_space<hbm>> -> memref<104x128xi32, #tpu.memory_space<hbm>>
      %dma_start3A_128 = arith.constant 0 : i32
      %dma_start3A_129 = tpu.memref_slice %arg3[%mul3A_2, %dma_start3A_128] : memref<3328x128xi32, #tpu.memory_space<hbm>> -> memref<104x128xi32, #tpu.memory_space<hbm>>
      tpu.enqueue_dma source(%dma_start3A_129 : memref<104x128xi32, #tpu.memory_space<hbm>>) target(%arg5 : memref<104x128xi32, #tpu.memory_space<vmem>>) target_semaphore(%run_scoped3A : memref<!tpu.dma_semaphore, #tpu.memory_space<semaphore_mem>>)
      %dma_wait3A_130 = arith.constant 0 : i32
      %dma_wait3A_131 = tpu.memref_slice %arg3[%mul3A_2, %dma_wait3A_130] : memref<3328x128xi32, #tpu.memory_space<hbm>> -> memref<104x128xi32, #tpu.memory_space<hbm>>
      %dma_wait3A_132 = arith.constant 0 : i32
      %dma_wait3A_133 = tpu.memref_slice %arg3[%mul3A_2, %dma_wait3A_132] : memref<3328x128xi32, #tpu.memory_space<hbm>> -> memref<104x128xi32, #tpu.memory_space<hbm>>
      tpu.wait_dma2 semaphore(%run_scoped3A : memref<!tpu.dma_semaphore, #tpu.memory_space<semaphore_mem>>) src(%dma_wait3A_133 : memref<104x128xi32, #tpu.memory_space<hbm>>) dst(%arg5 : memref<104x128xi32, #tpu.memory_space<vmem>>)
      tpu.yield
    }) : () -> ()
    %dma_start3A = arith.constant 0 : i32
    %dma_start3A_3 = arith.constant 0 : i32
    %dma_start3A_4 = tpu.memref_slice %arg5[%dma_start3A, %dma_start3A_3] : memref<104x128xi32, #tpu.memory_space<vmem>> -> memref<1x128xi32, #tpu.memory_space<vmem>>
    %dma_start3A_5 = tpu.memref_squeeze %dma_start3A_4 : memref<1x128xi32, #tpu.memory_space<vmem>> -> memref<128xi32, #tpu.memory_space<vmem>>
    %dma_start3A_6 = arith.constant 0 : i32
    %dma_start3A_7 = arith.constant 0 : i32
    %dma_start3A_8 = tpu.memref_slice %arg2[%dma_start3A_6, %dma_start3A_7] : memref<1000000x128xf32, #tpu.memory_space<hbm>> -> memref<1000000x128xf32, #tpu.memory_space<hbm>>
    tpu.enqueue_indirect_dma source(%dma_start3A_8 : memref<1000000x128xf32, #tpu.memory_space<hbm>>) target(%arg6 : memref<128x128xf32, #tpu.memory_space<vmem>>) offsets(%dma_start3A_5 : memref<128xi32, #tpu.memory_space<vmem>>) semaphore(%arg10 : memref<!tpu.dma_semaphore, #tpu.memory_space<semaphore_mem>>)
    %dma_start3A_9 = arith.constant 1 : i32
    %dma_start3A_10 = arith.constant 0 : i32
    %dma_start3A_11 = tpu.memref_slice %arg5[%dma_start3A_9, %dma_start3A_10] : memref<104x128xi32, #tpu.memory_space<vmem>> -> memref<1x128xi32, #tpu.memory_space<vmem>>
    %dma_start3A_12 = tpu.memref_squeeze %dma_start3A_11 : memref<1x128xi32, #tpu.memory_space<vmem>> -> memref<128xi32, #tpu.memory_space<vmem>>
    %dma_start3A_13 = arith.constant 0 : i32
    %dma_start3A_14 = arith.constant 0 : i32
    %dma_start3A_15 = tpu.memref_slice %arg2[%dma_start3A_13, %dma_start3A_14] : memref<1000000x128xf32, #tpu.memory_space<hbm>> -> memref<1000000x128xf32, #tpu.memory_space<hbm>>
    tpu.enqueue_indirect_dma source(%dma_start3A_15 : memref<1000000x128xf32, #tpu.memory_space<hbm>>) target(%arg7 : memref<128x128xf32, #tpu.memory_space<vmem>>) offsets(%dma_start3A_12 : memref<128xi32, #tpu.memory_space<vmem>>) semaphore(%arg11 : memref<!tpu.dma_semaphore, #tpu.memory_space<semaphore_mem>>)
    %dma_start3A_16 = arith.constant 2 : i32
    %dma_start3A_17 = arith.constant 0 : i32
    %dma_start3A_18 = tpu.memref_slice %arg5[%dma_start3A_16, %dma_start3A_17] : memref<104x128xi32, #tpu.memory_space<vmem>> -> memref<1x128xi32, #tpu.memory_space<vmem>>
    %dma_start3A_19 = tpu.memref_squeeze %dma_start3A_18 : memref<1x128xi32, #tpu.memory_space<vmem>> -> memref<128xi32, #tpu.memory_space<vmem>>
    %dma_start3A_20 = arith.constant 0 : i32
    %dma_start3A_21 = arith.constant 0 : i32
    %dma_start3A_22 = tpu.memref_slice %arg2[%dma_start3A_20, %dma_start3A_21] : memref<1000000x128xf32, #tpu.memory_space<hbm>> -> memref<1000000x128xf32, #tpu.memory_space<hbm>>
    tpu.enqueue_indirect_dma source(%dma_start3A_22 : memref<1000000x128xf32, #tpu.memory_space<hbm>>) target(%arg8 : memref<128x128xf32, #tpu.memory_space<vmem>>) offsets(%dma_start3A_19 : memref<128xi32, #tpu.memory_space<vmem>>) semaphore(%arg12 : memref<!tpu.dma_semaphore, #tpu.memory_space<semaphore_mem>>)
    %dma_start3A_23 = arith.constant 3 : i32
    %dma_start3A_24 = arith.constant 0 : i32
    %dma_start3A_25 = tpu.memref_slice %arg5[%dma_start3A_23, %dma_start3A_24] : memref<104x128xi32, #tpu.memory_space<vmem>> -> memref<1x128xi32, #tpu.memory_space<vmem>>
    %dma_start3A_26 = tpu.memref_squeeze %dma_start3A_25 : memref<1x128xi32, #tpu.memory_space<vmem>> -> memref<128xi32, #tpu.memory_space<vmem>>
    %dma_start3A_27 = arith.constant 0 : i32
    %dma_start3A_28 = arith.constant 0 : i32
    %dma_start3A_29 = tpu.memref_slice %arg2[%dma_start3A_27, %dma_start3A_28] : memref<1000000x128xf32, #tpu.memory_space<hbm>> -> memref<1000000x128xf32, #tpu.memory_space<hbm>>
    tpu.enqueue_indirect_dma source(%dma_start3A_29 : memref<1000000x128xf32, #tpu.memory_space<hbm>>) target(%arg9 : memref<128x128xf32, #tpu.memory_space<vmem>>) offsets(%dma_start3A_26 : memref<128xi32, #tpu.memory_space<vmem>>) semaphore(%arg13 : memref<!tpu.dma_semaphore, #tpu.memory_space<semaphore_mem>>)
    %scan3A = arith.constant 0 : i32
    %scan3A_30 = arith.constant 0 : i32
    %scan3A_31 = arith.constant 25 : i32
    %scan3A_32 = arith.addi %scan3A_30, %scan3A_31 : i32
    %scan3A_33 = arith.constant 1 : i32
    scf.for %scan3A_126 = %scan3A_30 to %scan3A_32 step %scan3A_33  : i32 {
      %mul3A_127 = arith.constant 4 : i32
      %mul3A_128 = arith.muli %scan3A_126, %mul3A_127 : i32
      %dma_wait3A_129 = arith.constant 0 : i32
      %dma_wait3A_130 = arith.constant 0 : i32
      %dma_wait3A_131 = tpu.memref_slice %arg5[%dma_wait3A_129, %dma_wait3A_130] : memref<104x128xi32, #tpu.memory_space<vmem>> -> memref<1x128xi32, #tpu.memory_space<vmem>>
      %dma_wait3A_132 = tpu.memref_squeeze %dma_wait3A_131 : memref<1x128xi32, #tpu.memory_space<vmem>> -> memref<128xi32, #tpu.memory_space<vmem>>
      %dma_wait3A_133 = arith.constant 0 : i32
      %dma_wait3A_134 = arith.constant 0 : i32
      %dma_wait3A_135 = tpu.memref_slice %arg2[%dma_wait3A_133, %dma_wait3A_134] : memref<1000000x128xf32, #tpu.memory_space<hbm>> -> memref<1000000x128xf32, #tpu.memory_space<hbm>>
      tpu.wait_indirect_dma semaphore(%arg10 : memref<!tpu.dma_semaphore, #tpu.memory_space<semaphore_mem>>) src(%dma_wait3A_135 : memref<1000000x128xf32, #tpu.memory_space<hbm>>) dst(%arg6 : memref<128x128xf32, #tpu.memory_space<vmem>>)
      %add3A_136 = arith.constant 0 : i32
      %add3A_137 = arith.addi %mul3A_128, %add3A_136 : i32
      %add3A_138 = arith.addi %mul3A_2, %add3A_137 : i32
      %mul3A_139 = arith.constant 128 : i32
      %mul3A_140 = arith.muli %add3A_138, %mul3A_139 : i32
      %dma_start3A_141 = arith.constant 0 : i32
      %dma_start3A_142 = tpu.memref_slice %arg4[%mul3A_140, %dma_start3A_141] : memref<425984x128xf32, #tpu.memory_space<hbm>> -> memref<128x128xf32, #tpu.memory_space<hbm>>
      %dma_start3A_143 = arith.constant 0 : i32
      %dma_start3A_144 = tpu.memref_slice %arg4[%mul3A_140, %dma_start3A_143] : memref<425984x128xf32, #tpu.memory_space<hbm>> -> memref<128x128xf32, #tpu.memory_space<hbm>>
      tpu.enqueue_dma source(%arg6 : memref<128x128xf32, #tpu.memory_space<vmem>>) target(%dma_start3A_144 : memref<128x128xf32, #tpu.memory_space<hbm>>) target_semaphore(%arg14 : memref<!tpu.dma_semaphore, #tpu.memory_space<semaphore_mem>>)
      %dma_wait3A_145 = arith.constant 0 : i32
      %dma_wait3A_146 = arith.constant 0 : i32
      %dma_wait3A_147 = tpu.memref_slice %arg5[%dma_wait3A_145, %dma_wait3A_146] : memref<104x128xi32, #tpu.memory_space<vmem>> -> memref<1x128xi32, #tpu.memory_space<vmem>>
      %dma_wait3A_148 = tpu.memref_squeeze %dma_wait3A_147 : memref<1x128xi32, #tpu.memory_space<vmem>> -> memref<128xi32, #tpu.memory_space<vmem>>
      %dma_wait3A_149 = arith.constant 0 : i32
      %dma_wait3A_150 = arith.constant 0 : i32
      %dma_wait3A_151 = tpu.memref_slice %arg2[%dma_wait3A_149, %dma_wait3A_150] : memref<1000000x128xf32, #tpu.memory_space<hbm>> -> memref<1000000x128xf32, #tpu.memory_space<hbm>>
      tpu.wait_indirect_dma semaphore(%arg11 : memref<!tpu.dma_semaphore, #tpu.memory_space<semaphore_mem>>) src(%dma_wait3A_151 : memref<1000000x128xf32, #tpu.memory_space<hbm>>) dst(%arg7 : memref<128x128xf32, #tpu.memory_space<vmem>>)
      %add3A_152 = arith.constant 1 : i32
      %add3A_153 = arith.addi %mul3A_128, %add3A_152 : i32
      %add3A_154 = arith.addi %mul3A_2, %add3A_153 : i32
      %mul3A_155 = arith.constant 128 : i32
      %mul3A_156 = arith.muli %add3A_154, %mul3A_155 : i32
      %dma_start3A_157 = arith.constant 0 : i32
      %dma_start3A_158 = tpu.memref_slice %arg4[%mul3A_156, %dma_start3A_157] : memref<425984x128xf32, #tpu.memory_space<hbm>> -> memref<128x128xf32, #tpu.memory_space<hbm>>
      %dma_start3A_159 = arith.constant 0 : i32
      %dma_start3A_160 = tpu.memref_slice %arg4[%mul3A_156, %dma_start3A_159] : memref<425984x128xf32, #tpu.memory_space<hbm>> -> memref<128x128xf32, #tpu.memory_space<hbm>>
      tpu.enqueue_dma source(%arg7 : memref<128x128xf32, #tpu.memory_space<vmem>>) target(%dma_start3A_160 : memref<128x128xf32, #tpu.memory_space<hbm>>) target_semaphore(%arg15 : memref<!tpu.dma_semaphore, #tpu.memory_space<semaphore_mem>>)
      %dma_wait3A_161 = arith.constant 0 : i32
      %dma_wait3A_162 = arith.constant 0 : i32
      %dma_wait3A_163 = tpu.memref_slice %arg5[%dma_wait3A_161, %dma_wait3A_162] : memref<104x128xi32, #tpu.memory_space<vmem>> -> memref<1x128xi32, #tpu.memory_space<vmem>>
      %dma_wait3A_164 = tpu.memref_squeeze %dma_wait3A_163 : memref<1x128xi32, #tpu.memory_space<vmem>> -> memref<128xi32, #tpu.memory_space<vmem>>
      %dma_wait3A_165 = arith.constant 0 : i32
      %dma_wait3A_166 = arith.constant 0 : i32
      %dma_wait3A_167 = tpu.memref_slice %arg2[%dma_wait3A_165, %dma_wait3A_166] : memref<1000000x128xf32, #tpu.memory_space<hbm>> -> memref<1000000x128xf32, #tpu.memory_space<hbm>>
      tpu.wait_indirect_dma semaphore(%arg12 : memref<!tpu.dma_semaphore, #tpu.memory_space<semaphore_mem>>) src(%dma_wait3A_167 : memref<1000000x128xf32, #tpu.memory_space<hbm>>) dst(%arg8 : memref<128x128xf32, #tpu.memory_space<vmem>>)
      %add3A_168 = arith.constant 2 : i32
      %add3A_169 = arith.addi %mul3A_128, %add3A_168 : i32
      %add3A_170 = arith.addi %mul3A_2, %add3A_169 : i32
      %mul3A_171 = arith.constant 128 : i32
      %mul3A_172 = arith.muli %add3A_170, %mul3A_171 : i32
      %dma_start3A_173 = arith.constant 0 : i32
      %dma_start3A_174 = tpu.memref_slice %arg4[%mul3A_172, %dma_start3A_173] : memref<425984x128xf32, #tpu.memory_space<hbm>> -> memref<128x128xf32, #tpu.memory_space<hbm>>
      %dma_start3A_175 = arith.constant 0 : i32
      %dma_start3A_176 = tpu.memref_slice %arg4[%mul3A_172, %dma_start3A_175] : memref<425984x128xf32, #tpu.memory_space<hbm>> -> memref<128x128xf32, #tpu.memory_space<hbm>>
      tpu.enqueue_dma source(%arg8 : memref<128x128xf32, #tpu.memory_space<vmem>>) target(%dma_start3A_176 : memref<128x128xf32, #tpu.memory_space<hbm>>) target_semaphore(%arg16 : memref<!tpu.dma_semaphore, #tpu.memory_space<semaphore_mem>>)
      %dma_wait3A_177 = arith.constant 0 : i32
      %dma_wait3A_178 = arith.constant 0 : i32
      %dma_wait3A_179 = tpu.memref_slice %arg5[%dma_wait3A_177, %dma_wait3A_178] : memref<104x128xi32, #tpu.memory_space<vmem>> -> memref<1x128xi32, #tpu.memory_space<vmem>>
      %dma_wait3A_180 = tpu.memref_squeeze %dma_wait3A_179 : memref<1x128xi32, #tpu.memory_space<vmem>> -> memref<128xi32, #tpu.memory_space<vmem>>
      %dma_wait3A_181 = arith.constant 0 : i32
      %dma_wait3A_182 = arith.constant 0 : i32
      %dma_wait3A_183 = tpu.memref_slice %arg2[%dma_wait3A_181, %dma_wait3A_182] : memref<1000000x128xf32, #tpu.memory_space<hbm>> -> memref<1000000x128xf32, #tpu.memory_space<hbm>>
      tpu.wait_indirect_dma semaphore(%arg13 : memref<!tpu.dma_semaphore, #tpu.memory_space<semaphore_mem>>) src(%dma_wait3A_183 : memref<1000000x128xf32, #tpu.memory_space<hbm>>) dst(%arg9 : memref<128x128xf32, #tpu.memory_space<vmem>>)
      %add3A_184 = arith.constant 3 : i32
      %add3A_185 = arith.addi %mul3A_128, %add3A_184 : i32
      %add3A_186 = arith.addi %mul3A_2, %add3A_185 : i32
      %mul3A_187 = arith.constant 128 : i32
      %mul3A_188 = arith.muli %add3A_186, %mul3A_187 : i32
      %dma_start3A_189 = arith.constant 0 : i32
      %dma_start3A_190 = tpu.memref_slice %arg4[%mul3A_188, %dma_start3A_189] : memref<425984x128xf32, #tpu.memory_space<hbm>> -> memref<128x128xf32, #tpu.memory_space<hbm>>
      %dma_start3A_191 = arith.constant 0 : i32
      %dma_start3A_192 = tpu.memref_slice %arg4[%mul3A_188, %dma_start3A_191] : memref<425984x128xf32, #tpu.memory_space<hbm>> -> memref<128x128xf32, #tpu.memory_space<hbm>>
      tpu.enqueue_dma source(%arg9 : memref<128x128xf32, #tpu.memory_space<vmem>>) target(%dma_start3A_192 : memref<128x128xf32, #tpu.memory_space<hbm>>) target_semaphore(%arg17 : memref<!tpu.dma_semaphore, #tpu.memory_space<semaphore_mem>>)
      %add3A_193 = arith.constant 0 : i32
      %add3A_194 = arith.addi %mul3A_128, %add3A_193 : i32
      %add3A_195 = arith.addi %mul3A_2, %add3A_194 : i32
      %mul3A_196 = arith.constant 128 : i32
      %mul3A_197 = arith.muli %add3A_195, %mul3A_196 : i32
      %dma_wait3A_198 = arith.constant 0 : i32
      %dma_wait3A_199 = tpu.memref_slice %arg4[%mul3A_197, %dma_wait3A_198] : memref<425984x128xf32, #tpu.memory_space<hbm>> -> memref<128x128xf32, #tpu.memory_space<hbm>>
      %dma_wait3A_200 = arith.constant 0 : i32
      %dma_wait3A_201 = tpu.memref_slice %arg4[%mul3A_197, %dma_wait3A_200] : memref<425984x128xf32, #tpu.memory_space<hbm>> -> memref<128x128xf32, #tpu.memory_space<hbm>>
      tpu.wait_dma2 semaphore(%arg14 : memref<!tpu.dma_semaphore, #tpu.memory_space<semaphore_mem>>) src(%arg6 : memref<128x128xf32, #tpu.memory_space<vmem>>) dst(%dma_wait3A_201 : memref<128x128xf32, #tpu.memory_space<hbm>>)
      %add3A_202 = arith.constant 4 : i32
      %add3A_203 = arith.addi %mul3A_128, %add3A_202 : i32
      %add3A_204 = arith.constant 0 : i32
      %add3A_205 = arith.addi %add3A_203, %add3A_204 : i32
      %dma_start3A_206 = arith.constant 0 : i32
      %dma_start3A_207 = tpu.memref_slice %arg5[%add3A_205, %dma_start3A_206] : memref<104x128xi32, #tpu.memory_space<vmem>> -> memref<1x128xi32, #tpu.memory_space<vmem>>
      %dma_start3A_208 = tpu.memref_squeeze %dma_start3A_207 : memref<1x128xi32, #tpu.memory_space<vmem>> -> memref<128xi32, #tpu.memory_space<vmem>>
      %dma_start3A_209 = arith.constant 0 : i32
      %dma_start3A_210 = arith.constant 0 : i32
      %dma_start3A_211 = tpu.memref_slice %arg2[%dma_start3A_209, %dma_start3A_210] : memref<1000000x128xf32, #tpu.memory_space<hbm>> -> memref<1000000x128xf32, #tpu.memory_space<hbm>>
      tpu.enqueue_indirect_dma source(%dma_start3A_211 : memref<1000000x128xf32, #tpu.memory_space<hbm>>) target(%arg6 : memref<128x128xf32, #tpu.memory_space<vmem>>) offsets(%dma_start3A_208 : memref<128xi32, #tpu.memory_space<vmem>>) semaphore(%arg10 : memref<!tpu.dma_semaphore, #tpu.memory_space<semaphore_mem>>)
      %add3A_212 = arith.constant 1 : i32
      %add3A_213 = arith.addi %mul3A_128, %add3A_212 : i32
      %add3A_214 = arith.addi %mul3A_2, %add3A_213 : i32
      %mul3A_215 = arith.constant 128 : i32
      %mul3A_216 = arith.muli %add3A_214, %mul3A_215 : i32
      %dma_wait3A_217 = arith.constant 0 : i32
      %dma_wait3A_218 = tpu.memref_slice %arg4[%mul3A_216, %dma_wait3A_217] : memref<425984x128xf32, #tpu.memory_space<hbm>> -> memref<128x128xf32, #tpu.memory_space<hbm>>
      %dma_wait3A_219 = arith.constant 0 : i32
      %dma_wait3A_220 = tpu.memref_slice %arg4[%mul3A_216, %dma_wait3A_219] : memref<425984x128xf32, #tpu.memory_space<hbm>> -> memref<128x128xf32, #tpu.memory_space<hbm>>
      tpu.wait_dma2 semaphore(%arg15 : memref<!tpu.dma_semaphore, #tpu.memory_space<semaphore_mem>>) src(%arg7 : memref<128x128xf32, #tpu.memory_space<vmem>>) dst(%dma_wait3A_220 : memref<128x128xf32, #tpu.memory_space<hbm>>)
      %add3A_221 = arith.constant 4 : i32
      %add3A_222 = arith.addi %mul3A_128, %add3A_221 : i32
      %add3A_223 = arith.constant 1 : i32
      %add3A_224 = arith.addi %add3A_222, %add3A_223 : i32
      %dma_start3A_225 = arith.constant 0 : i32
      %dma_start3A_226 = tpu.memref_slice %arg5[%add3A_224, %dma_start3A_225] : memref<104x128xi32, #tpu.memory_space<vmem>> -> memref<1x128xi32, #tpu.memory_space<vmem>>
      %dma_start3A_227 = tpu.memref_squeeze %dma_start3A_226 : memref<1x128xi32, #tpu.memory_space<vmem>> -> memref<128xi32, #tpu.memory_space<vmem>>
      %dma_start3A_228 = arith.constant 0 : i32
      %dma_start3A_229 = arith.constant 0 : i32
      %dma_start3A_230 = tpu.memref_slice %arg2[%dma_start3A_228, %dma_start3A_229] : memref<1000000x128xf32, #tpu.memory_space<hbm>> -> memref<1000000x128xf32, #tpu.memory_space<hbm>>
      tpu.enqueue_indirect_dma source(%dma_start3A_230 : memref<1000000x128xf32, #tpu.memory_space<hbm>>) target(%arg7 : memref<128x128xf32, #tpu.memory_space<vmem>>) offsets(%dma_start3A_227 : memref<128xi32, #tpu.memory_space<vmem>>) semaphore(%arg11 : memref<!tpu.dma_semaphore, #tpu.memory_space<semaphore_mem>>)
      %add3A_231 = arith.constant 2 : i32
      %add3A_232 = arith.addi %mul3A_128, %add3A_231 : i32
      %add3A_233 = arith.addi %mul3A_2, %add3A_232 : i32
      %mul3A_234 = arith.constant 128 : i32
      %mul3A_235 = arith.muli %add3A_233, %mul3A_234 : i32
      %dma_wait3A_236 = arith.constant 0 : i32
      %dma_wait3A_237 = tpu.memref_slice %arg4[%mul3A_235, %dma_wait3A_236] : memref<425984x128xf32, #tpu.memory_space<hbm>> -> memref<128x128xf32, #tpu.memory_space<hbm>>
      %dma_wait3A_238 = arith.constant 0 : i32
      %dma_wait3A_239 = tpu.memref_slice %arg4[%mul3A_235, %dma_wait3A_238] : memref<425984x128xf32, #tpu.memory_space<hbm>> -> memref<128x128xf32, #tpu.memory_space<hbm>>
      tpu.wait_dma2 semaphore(%arg16 : memref<!tpu.dma_semaphore, #tpu.memory_space<semaphore_mem>>) src(%arg8 : memref<128x128xf32, #tpu.memory_space<vmem>>) dst(%dma_wait3A_239 : memref<128x128xf32, #tpu.memory_space<hbm>>)
      %add3A_240 = arith.constant 4 : i32
      %add3A_241 = arith.addi %mul3A_128, %add3A_240 : i32
      %add3A_242 = arith.constant 2 : i32
      %add3A_243 = arith.addi %add3A_241, %add3A_242 : i32
      %dma_start3A_244 = arith.constant 0 : i32
      %dma_start3A_245 = tpu.memref_slice %arg5[%add3A_243, %dma_start3A_244] : memref<104x128xi32, #tpu.memory_space<vmem>> -> memref<1x128xi32, #tpu.memory_space<vmem>>
      %dma_start3A_246 = tpu.memref_squeeze %dma_start3A_245 : memref<1x128xi32, #tpu.memory_space<vmem>> -> memref<128xi32, #tpu.memory_space<vmem>>
      %dma_start3A_247 = arith.constant 0 : i32
      %dma_start3A_248 = arith.constant 0 : i32
      %dma_start3A_249 = tpu.memref_slice %arg2[%dma_start3A_247, %dma_start3A_248] : memref<1000000x128xf32, #tpu.memory_space<hbm>> -> memref<1000000x128xf32, #tpu.memory_space<hbm>>
      tpu.enqueue_indirect_dma source(%dma_start3A_249 : memref<1000000x128xf32, #tpu.memory_space<hbm>>) target(%arg8 : memref<128x128xf32, #tpu.memory_space<vmem>>) offsets(%dma_start3A_246 : memref<128xi32, #tpu.memory_space<vmem>>) semaphore(%arg12 : memref<!tpu.dma_semaphore, #tpu.memory_space<semaphore_mem>>)
      %add3A_250 = arith.constant 3 : i32
      %add3A_251 = arith.addi %mul3A_128, %add3A_250 : i32
      %add3A_252 = arith.addi %mul3A_2, %add3A_251 : i32
      %mul3A_253 = arith.constant 128 : i32
      %mul3A_254 = arith.muli %add3A_252, %mul3A_253 : i32
      %dma_wait3A_255 = arith.constant 0 : i32
      %dma_wait3A_256 = tpu.memref_slice %arg4[%mul3A_254, %dma_wait3A_255] : memref<425984x128xf32, #tpu.memory_space<hbm>> -> memref<128x128xf32, #tpu.memory_space<hbm>>
      %dma_wait3A_257 = arith.constant 0 : i32
      %dma_wait3A_258 = tpu.memref_slice %arg4[%mul3A_254, %dma_wait3A_257] : memref<425984x128xf32, #tpu.memory_space<hbm>> -> memref<128x128xf32, #tpu.memory_space<hbm>>
      tpu.wait_dma2 semaphore(%arg17 : memref<!tpu.dma_semaphore, #tpu.memory_space<semaphore_mem>>) src(%arg9 : memref<128x128xf32, #tpu.memory_space<vmem>>) dst(%dma_wait3A_258 : memref<128x128xf32, #tpu.memory_space<hbm>>)
      %add3A_259 = arith.constant 4 : i32
      %add3A_260 = arith.addi %mul3A_128, %add3A_259 : i32
      %add3A_261 = arith.constant 3 : i32
      %add3A_262 = arith.addi %add3A_260, %add3A_261 : i32
      %dma_start3A_263 = arith.constant 0 : i32
      %dma_start3A_264 = tpu.memref_slice %arg5[%add3A_262, %dma_start3A_263] : memref<104x128xi32, #tpu.memory_space<vmem>> -> memref<1x128xi32, #tpu.memory_space<vmem>>
      %dma_start3A_265 = tpu.memref_squeeze %dma_start3A_264 : memref<1x128xi32, #tpu.memory_space<vmem>> -> memref<128xi32, #tpu.memory_space<vmem>>
      %dma_start3A_266 = arith.constant 0 : i32
      %dma_start3A_267 = arith.constant 0 : i32
      %dma_start3A_268 = tpu.memref_slice %arg2[%dma_start3A_266, %dma_start3A_267] : memref<1000000x128xf32, #tpu.memory_space<hbm>> -> memref<1000000x128xf32, #tpu.memory_space<hbm>>
      tpu.enqueue_indirect_dma source(%dma_start3A_268 : memref<1000000x128xf32, #tpu.memory_space<hbm>>) target(%arg9 : memref<128x128xf32, #tpu.memory_space<vmem>>) offsets(%dma_start3A_265 : memref<128xi32, #tpu.memory_space<vmem>>) semaphore(%arg13 : memref<!tpu.dma_semaphore, #tpu.memory_space<semaphore_mem>>)
    }
    %scan3A_34 = arith.constant 25 : i32
    %dma_wait3A = arith.constant 0 : i32
    %dma_wait3A_35 = arith.constant 0 : i32
    %dma_wait3A_36 = tpu.memref_slice %arg5[%dma_wait3A, %dma_wait3A_35] : memref<104x128xi32, #tpu.memory_space<vmem>> -> memref<1x128xi32, #tpu.memory_space<vmem>>
    %dma_wait3A_37 = tpu.memref_squeeze %dma_wait3A_36 : memref<1x128xi32, #tpu.memory_space<vmem>> -> memref<128xi32, #tpu.memory_space<vmem>>
    %dma_wait3A_38 = arith.constant 0 : i32
    %dma_wait3A_39 = arith.constant 0 : i32
    %dma_wait3A_40 = tpu.memref_slice %arg2[%dma_wait3A_38, %dma_wait3A_39] : memref<1000000x128xf32, #tpu.memory_space<hbm>> -> memref<1000000x128xf32, #tpu.memory_space<hbm>>
    tpu.wait_indirect_dma semaphore(%arg10 : memref<!tpu.dma_semaphore, #tpu.memory_space<semaphore_mem>>) src(%dma_wait3A_40 : memref<1000000x128xf32, #tpu.memory_space<hbm>>) dst(%arg6 : memref<128x128xf32, #tpu.memory_space<vmem>>)
    %add3A_41 = arith.constant 100 : i32
    %add3A_42 = arith.addi %mul3A_2, %add3A_41 : i32
    %mul3A_43 = arith.constant 128 : i32
    %mul3A_44 = arith.muli %add3A_42, %mul3A_43 : i32
    %dma_start3A_45 = arith.constant 0 : i32
    %dma_start3A_46 = tpu.memref_slice %arg4[%mul3A_44, %dma_start3A_45] : memref<425984x128xf32, #tpu.memory_space<hbm>> -> memref<128x128xf32, #tpu.memory_space<hbm>>
    %dma_start3A_47 = arith.constant 0 : i32
    %dma_start3A_48 = tpu.memref_slice %arg4[%mul3A_44, %dma_start3A_47] : memref<425984x128xf32, #tpu.memory_space<hbm>> -> memref<128x128xf32, #tpu.memory_space<hbm>>
    tpu.enqueue_dma source(%arg6 : memref<128x128xf32, #tpu.memory_space<vmem>>) target(%dma_start3A_48 : memref<128x128xf32, #tpu.memory_space<hbm>>) target_semaphore(%arg14 : memref<!tpu.dma_semaphore, #tpu.memory_space<semaphore_mem>>)
    %dma_wait3A_49 = arith.constant 0 : i32
    %dma_wait3A_50 = arith.constant 0 : i32
    %dma_wait3A_51 = tpu.memref_slice %arg5[%dma_wait3A_49, %dma_wait3A_50] : memref<104x128xi32, #tpu.memory_space<vmem>> -> memref<1x128xi32, #tpu.memory_space<vmem>>
    %dma_wait3A_52 = tpu.memref_squeeze %dma_wait3A_51 : memref<1x128xi32, #tpu.memory_space<vmem>> -> memref<128xi32, #tpu.memory_space<vmem>>
    %dma_wait3A_53 = arith.constant 0 : i32
    %dma_wait3A_54 = arith.constant 0 : i32
    %dma_wait3A_55 = tpu.memref_slice %arg2[%dma_wait3A_53, %dma_wait3A_54] : memref<1000000x128xf32, #tpu.memory_space<hbm>> -> memref<1000000x128xf32, #tpu.memory_space<hbm>>
    tpu.wait_indirect_dma semaphore(%arg11 : memref<!tpu.dma_semaphore, #tpu.memory_space<semaphore_mem>>) src(%dma_wait3A_55 : memref<1000000x128xf32, #tpu.memory_space<hbm>>) dst(%arg7 : memref<128x128xf32, #tpu.memory_space<vmem>>)
    %add3A_56 = arith.constant 101 : i32
    %add3A_57 = arith.addi %mul3A_2, %add3A_56 : i32
    %mul3A_58 = arith.constant 128 : i32
    %mul3A_59 = arith.muli %add3A_57, %mul3A_58 : i32
    %dma_start3A_60 = arith.constant 0 : i32
    %dma_start3A_61 = tpu.memref_slice %arg4[%mul3A_59, %dma_start3A_60] : memref<425984x128xf32, #tpu.memory_space<hbm>> -> memref<128x128xf32, #tpu.memory_space<hbm>>
    %dma_start3A_62 = arith.constant 0 : i32
    %dma_start3A_63 = tpu.memref_slice %arg4[%mul3A_59, %dma_start3A_62] : memref<425984x128xf32, #tpu.memory_space<hbm>> -> memref<128x128xf32, #tpu.memory_space<hbm>>
    tpu.enqueue_dma source(%arg7 : memref<128x128xf32, #tpu.memory_space<vmem>>) target(%dma_start3A_63 : memref<128x128xf32, #tpu.memory_space<hbm>>) target_semaphore(%arg15 : memref<!tpu.dma_semaphore, #tpu.memory_space<semaphore_mem>>)
    %dma_wait3A_64 = arith.constant 0 : i32
    %dma_wait3A_65 = arith.constant 0 : i32
    %dma_wait3A_66 = tpu.memref_slice %arg5[%dma_wait3A_64, %dma_wait3A_65] : memref<104x128xi32, #tpu.memory_space<vmem>> -> memref<1x128xi32, #tpu.memory_space<vmem>>
    %dma_wait3A_67 = tpu.memref_squeeze %dma_wait3A_66 : memref<1x128xi32, #tpu.memory_space<vmem>> -> memref<128xi32, #tpu.memory_space<vmem>>
    %dma_wait3A_68 = arith.constant 0 : i32
    %dma_wait3A_69 = arith.constant 0 : i32
    %dma_wait3A_70 = tpu.memref_slice %arg2[%dma_wait3A_68, %dma_wait3A_69] : memref<1000000x128xf32, #tpu.memory_space<hbm>> -> memref<1000000x128xf32, #tpu.memory_space<hbm>>
    tpu.wait_indirect_dma semaphore(%arg12 : memref<!tpu.dma_semaphore, #tpu.memory_space<semaphore_mem>>) src(%dma_wait3A_70 : memref<1000000x128xf32, #tpu.memory_space<hbm>>) dst(%arg8 : memref<128x128xf32, #tpu.memory_space<vmem>>)
    %add3A_71 = arith.constant 102 : i32
    %add3A_72 = arith.addi %mul3A_2, %add3A_71 : i32
    %mul3A_73 = arith.constant 128 : i32
    %mul3A_74 = arith.muli %add3A_72, %mul3A_73 : i32
    %dma_start3A_75 = arith.constant 0 : i32
    %dma_start3A_76 = tpu.memref_slice %arg4[%mul3A_74, %dma_start3A_75] : memref<425984x128xf32, #tpu.memory_space<hbm>> -> memref<128x128xf32, #tpu.memory_space<hbm>>
    %dma_start3A_77 = arith.constant 0 : i32
    %dma_start3A_78 = tpu.memref_slice %arg4[%mul3A_74, %dma_start3A_77] : memref<425984x128xf32, #tpu.memory_space<hbm>> -> memref<128x128xf32, #tpu.memory_space<hbm>>
    tpu.enqueue_dma source(%arg8 : memref<128x128xf32, #tpu.memory_space<vmem>>) target(%dma_start3A_78 : memref<128x128xf32, #tpu.memory_space<hbm>>) target_semaphore(%arg16 : memref<!tpu.dma_semaphore, #tpu.memory_space<semaphore_mem>>)
    %dma_wait3A_79 = arith.constant 0 : i32
    %dma_wait3A_80 = arith.constant 0 : i32
    %dma_wait3A_81 = tpu.memref_slice %arg5[%dma_wait3A_79, %dma_wait3A_80] : memref<104x128xi32, #tpu.memory_space<vmem>> -> memref<1x128xi32, #tpu.memory_space<vmem>>
    %dma_wait3A_82 = tpu.memref_squeeze %dma_wait3A_81 : memref<1x128xi32, #tpu.memory_space<vmem>> -> memref<128xi32, #tpu.memory_space<vmem>>
    %dma_wait3A_83 = arith.constant 0 : i32
    %dma_wait3A_84 = arith.constant 0 : i32
    %dma_wait3A_85 = tpu.memref_slice %arg2[%dma_wait3A_83, %dma_wait3A_84] : memref<1000000x128xf32, #tpu.memory_space<hbm>> -> memref<1000000x128xf32, #tpu.memory_space<hbm>>
    tpu.wait_indirect_dma semaphore(%arg13 : memref<!tpu.dma_semaphore, #tpu.memory_space<semaphore_mem>>) src(%dma_wait3A_85 : memref<1000000x128xf32, #tpu.memory_space<hbm>>) dst(%arg9 : memref<128x128xf32, #tpu.memory_space<vmem>>)
    %add3A_86 = arith.constant 103 : i32
    %add3A_87 = arith.addi %mul3A_2, %add3A_86 : i32
    %mul3A_88 = arith.constant 128 : i32
    %mul3A_89 = arith.muli %add3A_87, %mul3A_88 : i32
    %dma_start3A_90 = arith.constant 0 : i32
    %dma_start3A_91 = tpu.memref_slice %arg4[%mul3A_89, %dma_start3A_90] : memref<425984x128xf32, #tpu.memory_space<hbm>> -> memref<128x128xf32, #tpu.memory_space<hbm>>
    %dma_start3A_92 = arith.constant 0 : i32
    %dma_start3A_93 = tpu.memref_slice %arg4[%mul3A_89, %dma_start3A_92] : memref<425984x128xf32, #tpu.memory_space<hbm>> -> memref<128x128xf32, #tpu.memory_space<hbm>>
    tpu.enqueue_dma source(%arg9 : memref<128x128xf32, #tpu.memory_space<vmem>>) target(%dma_start3A_93 : memref<128x128xf32, #tpu.memory_space<hbm>>) target_semaphore(%arg17 : memref<!tpu.dma_semaphore, #tpu.memory_space<semaphore_mem>>)
    %add3A_94 = arith.constant 100 : i32
    %add3A_95 = arith.addi %mul3A_2, %add3A_94 : i32
    %mul3A_96 = arith.constant 128 : i32
    %mul3A_97 = arith.muli %add3A_95, %mul3A_96 : i32
    %dma_wait3A_98 = arith.constant 0 : i32
    %dma_wait3A_99 = tpu.memref_slice %arg4[%mul3A_97, %dma_wait3A_98] : memref<425984x128xf32, #tpu.memory_space<hbm>> -> memref<128x128xf32, #tpu.memory_space<hbm>>
    %dma_wait3A_100 = arith.constant 0 : i32
    %dma_wait3A_101 = tpu.memref_slice %arg4[%mul3A_97, %dma_wait3A_100] : memref<425984x128xf32, #tpu.memory_space<hbm>> -> memref<128x128xf32, #tpu.memory_space<hbm>>
    tpu.wait_dma2 semaphore(%arg14 : memref<!tpu.dma_semaphore, #tpu.memory_space<semaphore_mem>>) src(%arg6 : memref<128x128xf32, #tpu.memory_space<vmem>>) dst(%dma_wait3A_101 : memref<128x128xf32, #tpu.memory_space<hbm>>)
    %add3A_102 = arith.constant 101 : i32
    %add3A_103 = arith.addi %mul3A_2, %add3A_102 : i32
    %mul3A_104 = arith.constant 128 : i32
    %mul3A_105 = arith.muli %add3A_103, %mul3A_104 : i32
    %dma_wait3A_106 = arith.constant 0 : i32
    %dma_wait3A_107 = tpu.memref_slice %arg4[%mul3A_105, %dma_wait3A_106] : memref<425984x128xf32, #tpu.memory_space<hbm>> -> memref<128x128xf32, #tpu.memory_space<hbm>>
    %dma_wait3A_108 = arith.constant 0 : i32
    %dma_wait3A_109 = tpu.memref_slice %arg4[%mul3A_105, %dma_wait3A_108] : memref<425984x128xf32, #tpu.memory_space<hbm>> -> memref<128x128xf32, #tpu.memory_space<hbm>>
    tpu.wait_dma2 semaphore(%arg15 : memref<!tpu.dma_semaphore, #tpu.memory_space<semaphore_mem>>) src(%arg7 : memref<128x128xf32, #tpu.memory_space<vmem>>) dst(%dma_wait3A_109 : memref<128x128xf32, #tpu.memory_space<hbm>>)
    %add3A_110 = arith.constant 102 : i32
    %add3A_111 = arith.addi %mul3A_2, %add3A_110 : i32
    %mul3A_112 = arith.constant 128 : i32
    %mul3A_113 = arith.muli %add3A_111, %mul3A_112 : i32
    %dma_wait3A_114 = arith.constant 0 : i32
    %dma_wait3A_115 = tpu.memref_slice %arg4[%mul3A_113, %dma_wait3A_114] : memref<425984x128xf32, #tpu.memory_space<hbm>> -> memref<128x128xf32, #tpu.memory_space<hbm>>
    %dma_wait3A_116 = arith.constant 0 : i32
    %dma_wait3A_117 = tpu.memref_slice %arg4[%mul3A_113, %dma_wait3A_116] : memref<425984x128xf32, #tpu.memory_space<hbm>> -> memref<128x128xf32, #tpu.memory_space<hbm>>
    tpu.wait_dma2 semaphore(%arg16 : memref<!tpu.dma_semaphore, #tpu.memory_space<semaphore_mem>>) src(%arg8 : memref<128x128xf32, #tpu.memory_space<vmem>>) dst(%dma_wait3A_117 : memref<128x128xf32, #tpu.memory_space<hbm>>)
    %add3A_118 = arith.constant 103 : i32
    %add3A_119 = arith.addi %mul3A_2, %add3A_118 : i32
    %mul3A_120 = arith.constant 128 : i32
    %mul3A_121 = arith.muli %add3A_119, %mul3A_120 : i32
    %dma_wait3A_122 = arith.constant 0 : i32
    %dma_wait3A_123 = tpu.memref_slice %arg4[%mul3A_121, %dma_wait3A_122] : memref<425984x128xf32, #tpu.memory_space<hbm>> -> memref<128x128xf32, #tpu.memory_space<hbm>>
    %dma_wait3A_124 = arith.constant 0 : i32
    %dma_wait3A_125 = tpu.memref_slice %arg4[%mul3A_121, %dma_wait3A_124] : memref<425984x128xf32, #tpu.memory_space<hbm>> -> memref<128x128xf32, #tpu.memory_space<hbm>>
    tpu.wait_dma2 semaphore(%arg17 : memref<!tpu.dma_semaphore, #tpu.memory_space<semaphore_mem>>) src(%arg9 : memref<128x128xf32, #tpu.memory_space<vmem>>) dst(%dma_wait3A_125 : memref<128x128xf32, #tpu.memory_space<hbm>>)
    return
  }
}

</mosaic_0001>

<sc_bundles>
// kernel: _run.3.cloned.1.call-start
scs
__scs_entry_jumppad:
0x0: {  	(pc) =	sbr.rel $0x88, $3  }
0x1: {  	(tag) =	ssettag $0x0;
	lr =	simm.s32 $0x1  }
0x2: {  	[smem:$0x3F9F] =	sst lr;
	_ =	strace $0xD0000000  }
0x3: {  	_ = 	snop  }
0x4: {  	_ = 	snop  }
0x5: {  	_ = 	snop  }
0x6: {  	_ = 	snop  }
0x7: {  	_ = 	snop  }
__scs_overlays_trampoline_lowered:
0x8: {  	[smem:$0x3FAE] =	sst s0  }
0x9: {  	[smem:$0x3FAF] =	sst s1  }
0xa: {  	[smem:$0x3FB0] =	sst s2  }
0xb: {  	[smem:$0x3FB1] =	sst s3  }
0xc: {  	[smem:$0x3FB2] =	sst s4  }
0xd: {  	[smem:$0x3FB3] =	sst s5  }
0xe: {  	[smem:$0x3FB4] =	sst s6  }
0xf: {  	[smem:$0x3FB5] =	sst s7  }
0x10: {  	[smem:$0x3FB6] =	sst s8  }
0x11: {  	[smem:$0x3FB7] =	sst s9;
	s0 =	simm.s32 @!p0 $0x0  }
0x12: {  	s1 =	sld [smem:$0x3F9D];
	s0 =	simm.s32 @p0 $0x1  }
0x13: {  	[smem:$0x3FB8] =	sst s0;
	s0 =	simm.s32 @!p1 $0x0  }
0x14: {  	s2 =	sld [smem:$0x3F9C];
	s0 =	simm.s32 @p1 $0x1  }
0x15: {  	[smem:$0x3FB9] =	sst s0;
	s0 =	simm.s32 @!p2 $0x0  }
0x16: {  	s3 =	sld [smem:$0x3FDB];
	s0 =	simm.s32 @p2 $0x1  }
0x17: {  	s4 =	simm.s32 $0x1BF5;
	[smem:$0x3FBB] =	sst s0  }
0x18: {  	s0 =	sld [smem:$0x3F9E];
	_ =	swait.ge [sflag:s4], $0x0  }
0x19: {  	s7 =	sld [smem:$0x3F9F]  }
0x1a: {  	s8 =	sadd.s32 $0xFFFFE003, lr  }
0x1b: {  	s9 =	sadd.s32 $0xFFFFFEF7, lr;
	s5 =	simm.s32 $0xFFFFFFFF;
	p2 =	slt.u32 s8, $0xFFFFF086  }
0x1c: {  	p1 =	slt.u32 s9, $0xF7A;
	s5 =	simm.s32 @!p2 $0x0  }
0x1d: {  	s5 =	simm.s32 @p1 $0x1;
	p0 =	seq.s32 s7, s2  }
0x1e: {  	s7 =	smul.u32 @!p0 $0xF7A, s2;
	p2 =	seq.s32 @!p0 s5, $0x0  }
0x1f: {  	s9 =	smul.u32 $0xF7A, s1;
	s8 =	simm.s32 @!p0 $0x1BF5;
	p2 =	por !p2, p0  }
0x20: {  	[sflag:s8] =	ssyncset.s32 @!p0 $0xFFFFF086;
	s6 =	sadd.s32 @!p0 s3, s7;
	s7 =	simm.s32 @!p0 $0x108  }
0x21: {  	s3 =	sadd.s32 s3, s9;
	s6 =	sadd.s32 @!p0 $0x88, s6;
	s7 =	simm.s32 @p2 $0x1082  }
0x22: {  	[simem:s7], [sflag:s8] =	dma.local @!p0 [hbm:s6], $0xF7A  }
0x23: {  	s9 =	sor.u32 $0xD0000000, s2;
	s6 =	simm.s32 $0x108;
	_ =	swait.ge @!p0 [sflag:s8], $0x0  }
0x24: {  	s3 =	sadd.s32 $0x88, s3;
	s6 =	simm.s32 @!p1 $0x1082;
	[sflag:s4] =	ssyncset.s32 $0xFFFFF086  }
0x25: {  	[simem:s6], [sflag:s4] =	dma.local [hbm:s3], $0xF7A  }
0x26: {  	[smem:$0x3F9F] =	sst s1;
	(tag) =	ssettag s2;
	_ =	strace s9  }
0x27: {  	s1 =	sld [smem:$0x3FAF]  }
0x28: {  	s2 =	sld [smem:$0x3FB0]  }
0x29: {  	s4 =	sld [smem:$0x3FB2]  }
0x2a: {  	p0 =	seq.s32 s5, $0x0;
	s5 =	sld [smem:$0x3FB3]  }
0x2b: {  	s6 =	sld [smem:$0x3FB4]  }
0x2c: {  	s7 =	sld [smem:$0x3FB5]  }
0x2d: {  	s3 =	simm.s32 $0x108;
	s8 =	sld [smem:$0x3FB6]  }
0x2e: {  	s3 =	simm.s32 @!p0 $0x1082;
	s9 =	sld [smem:$0x3FB7]  }
0x2f: {  	lr =	sadd.s32 s0, s3;
	s0 =	sld [smem:$0x3FAE]  }
0x30: {  	s3 =	sld [smem:$0x3FB1]  }
0x31: {  	[smem:$0x3FBA] =	sst s10  }
0x32: {  	s10 =	sld [smem:$0x3FB8];
	_ =	sdelay $0x3  }
0x33: {  	p0 =	seq.s32 s10, $0x1;
	s10 =	sld [smem:$0x3FBA];
	_ =	sdelay $0x3  }
0x34: {  	[smem:$0x3FBA] =	sst s10  }
0x35: {  	s10 =	sld [smem:$0x3FB9];
	_ =	sdelay $0x3  }
0x36: {  	p1 =	seq.s32 s10, $0x1;
	s10 =	sld [smem:$0x3FBA];
	_ =	sdelay $0x3  }
0x37: {  	[smem:$0x3FBA] =	sst s10  }
0x38: {  	s10 =	sld [smem:$0x3FBB]  }
0x39: {  	_ = 	snop;
	(pc) =	sbr.ind lr, $3  }
0x3a: {  	_ = 	snop  }
0x3b: {  	_ = 	snop  }
0x3c: {  	p2 =	seq.s32 s10, $0x1;
	s10 =	sld [smem:$0x3FBA]  }
0x3d: {  	_ =	shalt  }
0x3e: {  	_ =	shalt  }
0x3f: {  	_ =	shalt  }
0x40: {  	_ =	shalt  }
0x41: {  	_ =	shalt  }
0x42: {  	_ =	shalt  }
0x43: {  	_ =	shalt  }
0x44: {  	_ =	shalt  }
0x45: {  	_ =	shalt  }
0x46: {  	_ =	shalt  }
0x47: {  	_ =	shalt  }
0x48: {  	_ =	shalt  }
0x49: {  	_ =	shalt  }
0x4a: {  	_ =	shalt  }
0x4b: {  	_ =	shalt  }
0x4c: {  	_ =	shalt  }
0x4d: {  	_ =	shalt  }
0x4e: {  	_ =	shalt  }
0x4f: {  	_ =	shalt  }
0x50: {  	_ =	shalt  }
0x51: {  	_ =	shalt  }
0x52: {  	_ =	shalt  }
0x53: {  	_ =	shalt  }
0x54: {  	_ =	shalt  }
0x55: {  	_ =	shalt  }
0x56: {  	_ =	shalt  }
0x57: {  	_ =	shalt  }
0x58: {  	_ =	shalt  }
0x59: {  	_ =	shalt  }
0x5a: {  	_ =	shalt  }
0x5b: {  	_ =	shalt  }
0x5c: {  	_ =	shalt  }
0x5d: {  	_ =	shalt  }
0x5e: {  	_ =	shalt  }
0x5f: {  	_ =	shalt  }
0x60: {  	_ =	shalt  }
0x61: {  	_ =	shalt  }
0x62: {  	_ =	shalt  }
0x63: {  	_ =	shalt  }
0x64: {  	_ =	shalt  }
0x65: {  	_ =	shalt  }
0x66: {  	_ =	shalt  }
0x67: {  	_ =	shalt  }
0x68: {  	_ =	shalt  }
0x69: {  	_ =	shalt  }
0x6a: {  	_ =	shalt  }
0x6b: {  	_ =	shalt  }
0x6c: {  	_ =	shalt  }
0x6d: {  	_ =	shalt  }
0x6e: {  	_ =	shalt  }
0x6f: {  	_ =	shalt  }
0x70: {  	_ =	shalt  }
0x71: {  	_ =	shalt  }
0x72: {  	_ =	shalt  }
0x73: {  	_ =	shalt  }
0x74: {  	_ =	shalt  }
0x75: {  	_ =	shalt  }
0x76: {  	_ =	shalt  }
0x77: {  	_ =	shalt  }
0x78: {  	_ =	shalt  }
0x79: {  	_ =	shalt  }
0x7a: {  	_ =	shalt  }
0x7b: {  	_ =	shalt  }
0x7c: {  	_ =	shalt  }
0x7d: {  	_ =	shalt  }
0x7e: {  	_ =	shalt  }
0x7f: {  	_ =	shalt  }
0x80: {  	_ =	shalt  }
0x81: {  	_ =	shalt  }
0x82: {  	_ =	shalt  }
0x83: {  	_ =	shalt  }
0x84: {  	_ =	shalt  }
0x85: {  	_ =	shalt  }
0x86: {  	_ =	shalt  }
0x87: {  	_ =	shalt  }
.Lfunc_end0:
.L_simem_size_0:
called_computation_lowered:
.L_overlay_start_0:
0x88: {  	s2 =	sld [smem:$0x3FD9]  }
0x89: {  	s3 =	sld [smem:$0x3FFE];
	_ =	sdelay $0x1  }
0x8a: {  	s1 =	srdreg.scid  }
0x8b: {  	s0 =	sand.u32 $0x1, s1  }
0x8c: {  	s18 =	sshll.u32 s0, $0xA;
	s2 =	sadd.s32 s3, s2  }
0x8d: {  	s2 =	sadd.s32 s2, s18  }
0x8e: {  	[smem:$0x3FC6] =	sst s2  }
0x8f: {  	_ = 	snop  }
0x90: {  	s2 =	sld [smem:$0x3FC9]  }
0x91: {  	s19 =	sld [smem:$0x3FC8]  }
0x92: {  	s4 =	sld [smem:$0x3FD0];
	(tm) =	ssettm $0x1  }
0x93: {  	s5 =	sld [smem:$0x3FFB];
	_ =	sdelay $0x3  }
0x94: {  	_ =	strace s5  }
0x95: {  	s5 =	sld [smem:$0x3FFC];
	_ =	sdelay $0x3  }
0x96: {  	_ =	strace s5  }
0x97: {  	s5 =	sld [smem:$0x3FFD];
	_ =	sdelay $0x3  }
0x98: {  	_ =	strace s5  }
0x99: {  	_ =	strace $0x8FFFFFFF  }
0x9a: {  	s20 =	sld [smem:$0x3FDB];
	_ =	sdelay $0x1  }
0x9b: {  	s6 =	simm.s32 $_scs_section_size  }
0x9c: {  	s7 =	simm.s32 $_size__tile_overlayer_lowered;
	s8 =	simm.s32 $_tile_overlayer_lowered  }
0x9d: {  	s23 =	simm.s32 $0x1BFF;
	s22 =	sshll.u32 s8, $0x1;
	s5 =	sadd.s32 s6, s20  }
0x9e: {  	s9 =	simm.s32 $0x0;
	s21 =	sshll.u32 s7, $0x1;
	s7 =	sadd.s32 s22, s5  }
0x9f: {  	[timem:s9], [sflag:s23] =	dma.local [hbm:s7], s21  }
0xa0: {  	_ =	swait.ge [sflag:s23], s21  }
0xa1: {  	s6 =	ssub.s32 $0x0, s21;
	[sflag:s23] =	ssyncset.done $0x0  }
0xa2: {  	[sflag:s23] =	ssyncadd.s32 s6;
	_ =	sdelay $0x1  }
0xa3: {  	s24 =	simm.s32 $0x1B8B  }
0xa4: {  	_ =	swait.ge [sflag:s24], $0x1  }
0xa5: {  	[sflag:s24] =	ssyncset.done $0x0  }
0xa6: {  	s25 =	simm.s32 $0x1B8E;
	[sflag:s24] =	ssyncadd.s32 $0xFFFFFFFF  }
0xa7: {  	s26 =	simm.s32 $execute0_lowered;
	[smem:$0x3FD2] =	sst s25  }
0xa8: {  	s6 =	sshll.u32 s26, $0x1;
	_ =	strace $0x80000046;
	[dreg:$0x1] =	wrdreg $0xFFFFFFFF  }
0xa9: {  	s28 =	simm.s32 $_size_execute0_lowered;
	s5 =	sadd.s32 s5, s6;
	[dreg:$0x0] =	wrdreg $0x0  }
0xaa: {  	s6 =	sshll.u32 s28, $0x1;
	[dreg:$0x2] =	wrdreg s5  }
0xab: {  	[dreg:$0x3] =	wrdreg s6  }
0xac: {  	[dreg:$0x4] =	wrdreg $0xC0  }
0xad: {  	_ =	task [dreg:s9], $0x5FFFF  }
0xae: {  	[dreg:$0x1] =	wrdreg $0xFFFFFFFF  }
0xaf: {  	[dreg:$0x0] =	wrdreg $0x60  }
0xb0: {  	[dreg:$0x2] =	wrdreg s19  }
0xb1: {  	[dreg:$0x3] =	wrdreg s2  }
0xb2: {  	[dreg:$0x4] =	wrdreg s4  }
0xb3: {  	[dreg:$0x5] =	wrdreg $0x9  }
0xb4: {  	_ =	task.clear_ibuf [dreg:s9], $0x6FFFF;
	_ =	strace $0x90000046  }
0xb5: {  	s29 =	simm.s32 $0x9;
	_ =	strace $0x80000048  }
0xb6: {  	_ =	swait.ge [sflag:s29], $0x1  }
0xb7: {  	[sflag:s29] =	ssyncadd.s32 $0xFFFFFFFF  }
0xb8: {  	_ =	strace $0x90000048  }
0xb9: {  	_ =	sfence  }
0xba: {  	s30 =	sld [smem:$0x0];
	_ =	sdelay $0x2  }
0xbb: {  	s31 =	sshll.u32 s1, $0xD;
	s1 =	sshrl.u32 s1, $0x2  }
0xbc: {  	s3 =	sand.u32 $0x4000, s31;
	s1 =	sadd.s32 s1, s30  }
0xbd: {  	s0 =	sor.u32 s3, s0;
	s1 =	sshll.u32 s1, $0x11  }
0xbe: {  	s0 =	sor.u32 s1, s0  }
0xbf: {  	s0 =	sadd.s32 $0x8F2B, s0  }
0xc0: {  	[sflag:s0] =	ssyncadd.remote.s32 $0x1  }
0xc1: {  	_ =	sfence.sel $0xFFFF  }
0xc2: {  	[dreg:$0x0] =	wrdreg $0xFFFFFFFF;
	(pc) =	sbr.abs _section_cstart, $3  }
0xc3: {  	[dreg:$0x1] =	wrdreg $0xFFFFFFFF  }
0xc4: {  	_ =	task.clear_ibuf [dreg:s9], $0x2FFFF;
	_ =	strace $0x9FFFFFFF  }
0xc5: {  	(tm) =	ssettm $0x7FFFFFFF  }
tec
execute0_lowered:
.L_overlay_start_1:
0x0: {  	(tag) =	ssettag $0x1  }
0x1: {  	s1 =	rddreg [dreg:$0x0]  }
0x2: {  	s0 =	rddreg [dreg:$0x1];
	s2 =	srdreg.scid  }
0x3: {  	s13 =	stileid.u32;
	s12 =	rddreg [dreg:$0x2];
	s3 =	simm.s32 $0x0  }
0x4: {  	s14 =	simm.s32 $0x80;
	s15 =	simm.s32 $0x3400;
	s16 =	simm.s32 $0x7400  }
0x5: {  	s18 =	simm.s32 $0xB400;
	s20 =	simm.s32 $0xF400;
	s21 =	simm.s32 $0x1  }
0x6: {  	s22 =	simm.s32 $0x2;
	s23 =	simm.s32 $0x3;
	s24 =	simm.s32 $0x4  }
0x7: {  	s25 =	simm.s32 $0x5;
	s28 =	simm.s32 $0x7;
	s8 =	smul.u32 $0xD0, s13  }
0x8: {  	s2 =	sand.u32 $0x1, s2;
	s4 =	sshll.u32 s13, $0x1;
	s13 =	smul.u32 $0x68000, s13  }
0x9: {  	s29 =	simm.s32 $0x8;
	[smem:$0x7FF] =	sst s3;
	s10 =	smul.u32 $0x68, s2  }
0xa: {  	s4 =	sor.u32 s2, s4;
	s6 =	ssub.s32 $0x2, s2;
	s2 =	smul.u32 $0x34000, s2  }
0xb: {  	s30 =	simm.s32 $0x0;
	_ =	strace $0x80000047;
	s5 =	smul.u32 $0x1A0000, s4  }
0xc: {  	s4 =	smul.u32 $0x680, s4;
	s7 =	sshrl.u32 s6, $0x1;
	s31 =	sadd.s32 s13, s12  }
0xd: {  	s13 =	simm.s32 $0x9;
	s11 =	ssub.s32 s6, s7;
	s5 =	sshrl.u32 s5, $0x3  }
0xe: {  	s26 =	sadd.s32 s10, s8;
	s0 =	sadd.s32 s0, s4;
	s9 =	sadd.s32 s12, s5  }
0xf: {  	[dreg:$0x4] =	wrdreg s0;
	s0 =	sshll.u32 s26, $0xB;
	s26 =	simm.s32 $0x6  }
0x10: {  	s5 =	sadd.s32 $0x32000, s9;
	s6 =	sadd.s32 $0x32800, s9;
	s7 =	sadd.s32 $0x33000, s9  }
0x11: {  	s8 =	sadd.s32 $0x33800, s9;
	s9 =	smax.u32 s11, $0x1;
	s0 =	sadd.s32 s0, s12  }
0x12: {  	s12 =	sadd.s32 s2, s31;
	s10 =	sadd.s32 $0x1800, s0;
	s11 =	sadd.s32 $0x1000, s0  }
.LBB2_1:
0x13: {  	s0 =	rddreg [dreg:$0x4]  }
0x14: {  	[tilespmem:s3], [sflag:$0x9] =	stream.linear.gather [hbm4b:s0+s3], $0x3400, $0x38;
	[tilespmem:$0x13400] =	vst v63  }
0x15: {  	_ =	swait.ge [sflag:s13], $0x3400  }
0x16: {  	[sflag:s13] =	ssyncset.done $0x0  }
0x17: {  	[sflag:s13] =	ssyncadd.s32 $0xFFFFCC00  }
0x18: {  	[tilespmem:s15], [sflag:$0x1] =	stream.indirect.gather [hbm4b:s1+s14], $0x80, s3, s14, $0xb8;
	[tilespmem:$0x13400] =	vst v63  }
0x19: {  	_ = 	snop  }
0x1a: {  	[tilespmem:s16], [sflag:$0x2] =	stream.indirect.gather [hbm4b:s1+s14], $0x80, s14, s14, $0xb8;
	[tilespmem:$0x13400] =	vst v63  }
0x1b: {  	s17 =	simm.s32 $0x100  }
0x1c: {  	[tilespmem:s18], [sflag:$0x3] =	stream.indirect.gather [hbm4b:s1+s14], $0x80, s17, s14, $0xb8;
	[tilespmem:$0x13400] =	vst v63  }
0x1d: {  	s19 =	simm.s32 $0x180  }
0x1e: {  	[tilespmem:s20], [sflag:$0x4] =	stream.indirect.gather [hbm4b:s1+s14], $0x80, s19, s14, $0xb8;
	[tilespmem:$0x13400] =	vst v63  }
0x1f: {  	_ =	swait.ge [sflag:s21], $0x4000  }
0x20: {  	[sflag:s21] =	ssyncset.done $0x0  }
0x21: {  	[sflag:s21] =	ssyncadd.s32 $0xFFFFC000  }
0x22: {  	[hbm4b:s12+s3] =	stream.linear.scatter [tilespmem:s15], [sflag:$0x5], $0x4000, $0x38;
	[tilespmem:$0x13400] =	vst v63  }
0x23: {  	_ =	swait.ge [sflag:s22], $0x4000  }
0x24: {  	[sflag:s22] =	ssyncset.done $0x0  }
0x25: {  	s2 =	sadd.s32 $0xFFFFF000, s10;
	[sflag:s22] =	ssyncadd.s32 $0xFFFFC000  }
0x26: {  	[hbm4b:s2+s3] =	stream.linear.scatter [tilespmem:s16], [sflag:$0x6], $0x4000, $0x38;
	[tilespmem:$0x13400] =	vst v63  }
0x27: {  	_ =	swait.ge [sflag:s23], $0x4000  }
0x28: {  	[sflag:s23] =	ssyncset.done $0x0  }
0x29: {  	[sflag:s23] =	ssyncadd.s32 $0xFFFFC000  }
0x2a: {  	[hbm4b:s11+s3] =	stream.linear.scatter [tilespmem:s18], [sflag:$0x7], $0x4000, $0x38;
	[tilespmem:$0x13400] =	vst v63  }
0x2b: {  	_ =	swait.ge [sflag:s24], $0x4000  }
0x2c: {  	[sflag:s24] =	ssyncset.done $0x0  }
0x2d: {  	[sflag:s24] =	ssyncadd.s32 $0xFFFFC000  }
0x2e: {  	[hbm4b:s10+s3] =	stream.linear.scatter [tilespmem:s20], [sflag:$0x8], $0x4000, $0x38;
	[tilespmem:$0x13400] =	vst v63  }
0x2f: {  	_ =	swait.ge [sflag:s25], $0x4000  }
0x30: {  	[sflag:s25] =	ssyncset.done $0x0  }
0x31: {  	s4 =	simm.s32 $0x200;
	[sflag:s25] =	ssyncadd.s32 $0xFFFFC000  }
0x32: {  	[tilespmem:s15], [sflag:$0x1] =	stream.indirect.gather [hbm4b:s1+s14], $0x80, s4, s14, $0xb8;
	[tilespmem:$0x13400] =	vst v63  }
0x33: {  	_ =	swait.ge [sflag:s26], $0x4000  }
0x34: {  	[sflag:s26] =	ssyncset.done $0x0  }
0x35: {  	s17 =	simm.s32 $0x280;
	[sflag:s26] =	ssyncadd.s32 $0xFFFFC000  }
0x36: {  	[tilespmem:s16], [sflag:$0x2] =	stream.indirect.gather [hbm4b:s1+s14], $0x80, s17, s14, $0xb8;
	[tilespmem:$0x13400] =	vst v63  }
0x37: {  	_ =	swait.ge [sflag:s28], $0x4000  }
0x38: {  	[sflag:s28] =	ssyncset.done $0x0  }
0x39: {  	s19 =	simm.s32 $0x300;
	[sflag:s28] =	ssyncadd.s32 $0xFFFFC000  }
0x3a: {  	[tilespmem:s18], [sflag:$0x3] =	stream.indirect.gather [hbm4b:s1+s14], $0x80, s19, s14, $0xb8;
	[tilespmem:$0x13400] =	vst v63  }
0x3b: {  	s31 =	simm.s32 $0x800;
	_ =	swait.ge [sflag:s29], $0x4000  }
0x3c: {  	s0 =	sadd.s32 $0x2000, s12;
	s2 =	sadd.s32 $0x2000, s11;
	[sflag:s29] =	ssyncset.done $0x0  }
0x3d: {  	s17 =	sadd.s32 $0x2000, s10;
	s19 =	simm.s32 $0x380;
	[sflag:s29] =	ssyncadd.s32 $0xFFFFC000  }
.LBB2_2:
0x3e: {  	[tilespmem:s20], [sflag:$0x4] =	stream.indirect.gather [hbm4b:s1+s14], $0x80, s19, s14, $0xb8;
	[tilespmem:$0x13400] =	vst v63  }
0x3f: {  	s19 =	smov.u32 s31  }
0x40: {  	p0 =	sne.s32 s31, $0xC000;
	s31 =	sadd.s32 $0x800, s31;
	_ =	swait.ge [sflag:s21], $0x4000  }
0x41: {  	[sflag:s21] =	ssyncset.done $0x0  }
0x42: {  	[sflag:s21] =	ssyncadd.s32 $0xFFFFC000  }
0x43: {  	[hbm4b:s0+s3] =	stream.linear.scatter [tilespmem:s15], [sflag:$0x5], $0x4000, $0x38;
	[tilespmem:$0x13400] =	vst v63  }
0x44: {  	_ =	swait.ge [sflag:s22], $0x4000  }
0x45: {  	[sflag:s22] =	ssyncset.done $0x0  }
0x46: {  	s4 =	sadd.s32 $0xFFFFF000, s17;
	[sflag:s22] =	ssyncadd.s32 $0xFFFFC000  }
0x47: {  	[hbm4b:s4+s3] =	stream.linear.scatter [tilespmem:s16], [sflag:$0x6], $0x4000, $0x38;
	[tilespmem:$0x13400] =	vst v63  }
0x48: {  	_ =	swait.ge [sflag:s23], $0x4000  }
0x49: {  	[sflag:s23] =	ssyncset.done $0x0  }
0x4a: {  	[sflag:s23] =	ssyncadd.s32 $0xFFFFC000  }
0x4b: {  	[hbm4b:s2+s3] =	stream.linear.scatter [tilespmem:s18], [sflag:$0x7], $0x4000, $0x38;
	[tilespmem:$0x13400] =	vst v63  }
0x4c: {  	_ =	swait.ge [sflag:s24], $0x4000  }
0x4d: {  	[sflag:s24] =	ssyncset.done $0x0  }
0x4e: {  	[sflag:s24] =	ssyncadd.s32 $0xFFFFC000  }
0x4f: {  	[hbm4b:s17+s3] =	stream.linear.scatter [tilespmem:s20], [sflag:$0x8], $0x4000, $0x38;
	[tilespmem:$0x13400] =	vst v63  }
0x50: {  	_ =	swait.ge [sflag:s25], $0x4000  }
0x51: {  	s4 =	sshra.s32 s19, $0x2;
	[sflag:s25] =	ssyncset.done $0x0  }
0x52: {  	s19 =	sadd.s32 $0x200, s4;
	[sflag:s25] =	ssyncadd.s32 $0xFFFFC000  }
0x53: {  	[tilespmem:s15], [sflag:$0x1] =	stream.indirect.gather [hbm4b:s1+s14], $0x80, s19, s14, $0xb8;
	[tilespmem:$0x13400] =	vst v63  }
0x54: {  	_ =	swait.ge [sflag:s26], $0x4000  }
0x55: {  	[sflag:s26] =	ssyncset.done $0x0  }
0x56: {  	s19 =	sadd.s32 $0x280, s4;
	[sflag:s26] =	ssyncadd.s32 $0xFFFFC000  }
0x57: {  	[tilespmem:s16], [sflag:$0x2] =	stream.indirect.gather [hbm4b:s1+s14], $0x80, s19, s14, $0xb8;
	[tilespmem:$0x13400] =	vst v63  }
0x58: {  	_ =	swait.ge [sflag:s28], $0x4000  }
0x59: {  	[sflag:s28] =	ssyncset.done $0x0  }
.Ltmp0:
0x5a: {  	s19 =	sadd.s32 $0x300, s4;
	[sflag:s28] =	ssyncadd.s32 $0xFFFFC000;
	(pc) =	sbr.rel @p0 .LBB2_2-.Ltmp0, $4  }
0x5b: {  	[tilespmem:s18], [sflag:$0x3] =	stream.indirect.gather [hbm4b:s1+s14], $0x80, s19, s14, $0xb8;
	[tilespmem:$0x13400] =	vst v63  }
0x5c: {  	_ =	swait.ge [sflag:s29], $0x4000  }
0x5d: {  	s0 =	sadd.s32 $0x2000, s0;
	s2 =	sadd.s32 $0x2000, s2;
	[sflag:s29] =	ssyncset.done $0x0  }
0x5e: {  	s17 =	sadd.s32 $0x2000, s17;
	s19 =	sadd.s32 $0x380, s4;
	[sflag:s29] =	ssyncadd.s32 $0xFFFFC000  }
0x5f: {  	[tilespmem:s20], [sflag:$0x4] =	stream.indirect.gather [hbm4b:s1+s14], $0x80, s19, s14, $0xb8;
	[tilespmem:$0x13400] =	vst v63  }
0x60: {  	_ =	swait.ge [sflag:s21], $0x4000  }
0x61: {  	[sflag:s21] =	ssyncset.done $0x0  }
0x62: {  	[sflag:s21] =	ssyncadd.s32 $0xFFFFC000  }
0x63: {  	[hbm4b:s5+s3] =	stream.linear.scatter [tilespmem:s15], [sflag:$0x5], $0x4000, $0x38;
	[tilespmem:$0x13400] =	vst v63  }
0x64: {  	_ =	swait.ge [sflag:s22], $0x4000  }
0x65: {  	[sflag:s22] =	ssyncset.done $0x0  }
0x66: {  	[sflag:s22] =	ssyncadd.s32 $0xFFFFC000  }
0x67: {  	[hbm4b:s6+s3] =	stream.linear.scatter [tilespmem:s16], [sflag:$0x6], $0x4000, $0x38;
	[tilespmem:$0x13400] =	vst v63  }
0x68: {  	_ =	swait.ge [sflag:s23], $0x4000  }
0x69: {  	[sflag:s23] =	ssyncset.done $0x0  }
0x6a: {  	[sflag:s23] =	ssyncadd.s32 $0xFFFFC000  }
0x6b: {  	[hbm4b:s7+s3] =	stream.linear.scatter [tilespmem:s18], [sflag:$0x7], $0x4000, $0x38;
	[tilespmem:$0x13400] =	vst v63  }
0x6c: {  	_ =	swait.ge [sflag:s24], $0x4000  }
0x6d: {  	[sflag:s24] =	ssyncset.done $0x0  }
0x6e: {  	[sflag:s24] =	ssyncadd.s32 $0xFFFFC000  }
0x6f: {  	[hbm4b:s8+s3] =	stream.linear.scatter [tilespmem:s20], [sflag:$0x8], $0x4000, $0x38;
	[tilespmem:$0x13400] =	vst v63  }
0x70: {  	_ =	swait.ge [sflag:s25], $0x4000  }
0x71: {  	[sflag:s25] =	ssyncset.done $0x0  }
0x72: {  	[sflag:s25] =	ssyncadd.s32 $0xFFFFC000  }
0x73: {  	_ =	swait.ge [sflag:s26], $0x4000  }
0x74: {  	[sflag:s26] =	ssyncset.done $0x0  }
0x75: {  	s30 =	sadd.s32 $0x1, s30;
	[sflag:s26] =	ssyncadd.s32 $0xFFFFC000  }
0x76: {  	p0 =	sne.s32 s30, s9;
	_ =	swait.ge [sflag:s28], $0x4000  }
.Ltmp1:
0x77: {  	[sflag:s28] =	ssyncset.done $0x0;
	(pc) =	sbr.rel @p0 .LBB2_1-.Ltmp1, $4  }
0x78: {  	[sflag:s28] =	ssyncadd.s32 $0xFFFFC000  }
0x79: {  	_ =	swait.ge [sflag:s29], $0x4000  }
0x7a: {  	[sflag:s29] =	ssyncset.done $0x0  }
0x7b: {  	[sflag:s29] =	ssyncadd.s32 $0xFFFFC000  }
0x7c: {  	_ =	sfence.sel $0x180000  }
0x7d: {  	[bflag:$0x0] =	sbarrier.arrive $0xFFFF  }
0x7e: {  	_ =	strace $0x90000047  }
0x7f: {  	s0 =	stileid.u32;
	[bflag:$0x2] =	sbarrier.arrive $0xFFFF  }
0x80: {  	p0 =	sne.s32 s0, $0x0;
	s0 =	rddreg [dreg:$0x3]  }
0x81: {  	s0 =	sadd.s32 @!p0 $0x100000, s0  }
0x82: {  	[sflag:s0] =	ssyncadd.tile.s32 @!p0 $0x1;
	_ =	shalt  }
.Lfunc_end2:
_tile_overlayer_lowered:
.L_overlay_start_2:
0x83: {  	(tag) =	ssettag $0x2  }
0x84: {  	s0 =	rddreg [dreg:$0x0];
	s2 =	stileid.u32  }
0x85: {  	s1 =	rddreg [dreg:$0x1];
	p0 =	sne.s32 s2, $0x0  }
0x86: {  	s3 =	rddreg [dreg:$0x2];
	[bflag:$0x3] =	sbarrier.arrive $0xFFFF;
	s2 =	simm.s32 @!p0 $0x1C09  }
0x87: {  	[timem:s3], [sflag:s2] =	dma.local @!p0 [hbm:s0], s1  }
0x88: {  	s0 =	simm.s32 @!p0 $0x9  }
0x89: {  	_ =	swait.ge @!p0 [sflag:s0], s1  }
0x8a: {  	s1 =	ssub.s32 @!p0 $0x0, s1;
	[sflag:s0] =	ssyncset.done @!p0 $0x0  }
0x8b: {  	[sflag:s0] =	ssyncadd.s32 @!p0 s1  }
0x8c: {  	[bflag:$0x3] =	sbarrier.arrive $0xFFFF  }
0x8d: {  	_ =	shalt  }

</sc_bundles>
